<compile_context>
chip_gen: v7x
topology: tpu7x:2x2x1
jax: 0.10.2.dev20260603
libtpu: 0.0.44.dev20260713+nightly
codegen_flags: <defaults>
</compile_context>

<pallas_src>
import functools

import jax
import jax.numpy as jnp
from jax import lax
from jax.experimental import pallas as pl
from jax.experimental.pallas import tpu as pltpu
from jax.experimental.pallas import tpu_sc as plsc

_NC = 2
_NS = 16
_NW = _NC * _NS


def _gather_stage(emb, first_w_flat, idx_flat):
    n, = idx_flat.shape
    v, d = emb.shape
    bpw = n // _NW
    mesh = plsc.VectorSubcoreMesh(core_axis_name="c", subcore_axis_name="s")

    @functools.partial(
        pl.kernel,
        mesh=mesh,
        compiler_params=pltpu.CompilerParams(use_tc_tiling_on_sc=False),
        out_type=(jax.ShapeDtypeStruct((n, d), jnp.float32),
                  jax.ShapeDtypeStruct((n,), jnp.float32)),
        scratch_types=[
            pltpu.VMEM((bpw,), jnp.int32),
            pltpu.VMEM((bpw, d), jnp.float32),
            pltpu.VMEM((bpw,), jnp.float32),
            pltpu.SemaphoreType.DMA,
            pltpu.SemaphoreType.DMA,
        ],
    )
    def sc_kernel(emb_hbm, fw_hbm, idx_hbm, out_emb_hbm, out_fw_hbm,
                  idx_v, rows_v, fw_v, sem_e, sem_f):
        wid = lax.axis_index("s") * _NC + lax.axis_index("c")
        base = wid * bpw
        pltpu.sync_copy(idx_hbm.at[pl.ds(base, bpw)], idx_v)
        ce = pltpu.async_copy(emb_hbm.at[idx_v], rows_v, sem_e)
        cf = pltpu.async_copy(fw_hbm.at[idx_v], fw_v, sem_f)
        ce.wait()
        cf.wait()
        pltpu.sync_copy(rows_v, out_emb_hbm.at[pl.ds(base, bpw)])
        pltpu.sync_copy(fw_v, out_fw_hbm.at[pl.ds(base, bpw)])

    return sc_kernel(emb, first_w_flat, idx_flat)


def _bn_relu(h):
    m = jnp.mean(h, axis=0, keepdims=True)
    c = h - m
    var = jnp.mean(c * c, axis=0, keepdims=True)
    return jnp.maximum(c / jnp.sqrt(var + 1e-5), 0.0)


def _dense_body(x_ref, yf_ref, s_ref, w1_ref, b1_ref, w2_ref, b2_ref,
                w3_ref, b3_ref, fc1_ref, fc2_ref, fc3_ref, fcb_ref, out_ref):
    hi = lax.Precision.DEFAULT
    x = x_ref[...]
    s_mat = s_ref[...]
    summed = jnp.dot(x, s_mat, precision=hi)
    sq_sum = jnp.dot(x * x, s_mat, precision=hi)
    y_secd = 0.5 * (summed * summed - sq_sum)

    h = jnp.dot(x, w1_ref[...], precision=hi) + b1_ref[...]
    h = _bn_relu(h)
    h = jnp.dot(h, w2_ref[...], precision=hi) + b2_ref[...]
    h = _bn_relu(h)
    h = jnp.dot(h, w3_ref[...], precision=hi) + b3_ref[...]
    h = _bn_relu(h)

    out = (jnp.sum(yf_ref[...] * fc1_ref[...], axis=1, keepdims=True)
           + jnp.sum(y_secd * fc2_ref[...], axis=1, keepdims=True)
           + jnp.sum(h * fc3_ref[...], axis=1, keepdims=True)
           + fcb_ref[...])
    out_ref[...] = out


def kernel(feat_index, first_w, emb, W1, b1, W2, b2, W3, b3, fcW, fcb):
    b, f = feat_index.shape
    v, d = emb.shape
    h_dim = b1.shape[0]

    idx_flat = feat_index.astype(jnp.int32).reshape(-1)
    rows, fw = _gather_stage(emb, first_w.reshape(-1), idx_flat)
    x = rows.reshape(b, f * d)
    yf = fw.reshape(b, f)

    s_mat = (jnp.arange(f * d, dtype=jnp.int32)[:, None] % d
             == jnp.arange(d, dtype=jnp.int32)[None, :]).astype(jnp.float32)

    out = pl.pallas_call(
        _dense_body,
        out_shape=jax.ShapeDtypeStruct((b, 1), jnp.float32),
    )(x, yf, s_mat, W1, b1.reshape(1, h_dim), W2, b2.reshape(1, h_dim),
      W3, b3.reshape(1, h_dim),
      fcW[:f, 0].reshape(1, f), fcW[f:f + d, 0].reshape(1, d),
      fcW[f + d:, 0].reshape(1, h_dim), fcb.reshape(1, 1))
    return out.reshape(b)

# --- scband reference (transcript-rebuilt; emitter-appended) ---
"""Pipeline reference for scband-deep-fm-19189913878978 (READ-ONLY COPY).

The authoritative reference and input builder live on the scoring server;
editing this copy changes nothing except your own understanding.
"""

import jax, jax.numpy as jnp
import numpy as np

V = 1000000
F = 26
D = 16
B = 4096
H = 64

def _xavier(k, shape):
    fan_in, fan_out = shape[0], shape[1]
    limit = (6.0 / (fan_in + fan_out)) ** 0.5
    return jax.random.uniform(k, shape, jnp.float32, -limit, limit)

def setup_inputs(seed: int = 0) -> dict:
    key = jax.random.key(seed)
    ks = jax.random.split(key, 8)
    feat_index = jax.random.randint(ks[0], (B, F), 0, V, dtype=jnp.int64 if jax.config.jax_enable_x64 else jnp.int32)
    first_w = _xavier(ks[1], (V, 1))
    emb = _xavier(ks[2], (V, D))
    W1 = _xavier(ks[3], (F * D, H)); b1 = jnp.zeros((H,), jnp.float32)
    W2 = _xavier(ks[4], (H, H)); b2 = jnp.zeros((H,), jnp.float32)
    W3 = _xavier(ks[5], (H, H)); b3 = jnp.zeros((H,), jnp.float32)
    fcW = _xavier(ks[6], (F + D + H, 1)); fcb = jnp.zeros((1,), jnp.float32)
    return {"feat_index": feat_index, "first_w": first_w, "emb": emb,
            "W1": W1, "b1": b1, "W2": W2, "b2": b2, "W3": W3, "b3": b3,
            "fcW": fcW, "fcb": fcb}

def _bn(x, eps=1e-5):
    # BatchNorm1d in training mode: batch statistics, gamma=1, beta=0
    m = jnp.mean(x, axis=0, keepdims=True)
    v = jnp.var(x, axis=0, keepdims=True)
    return (x - m) / jnp.sqrt(v + eps)

def reference(feat_index, first_w, emb, W1, b1, W2, b2, W3, b3, fcW, fcb):
    # feat_value is all-ones, unsqueezed to [B, F, 1]
    feat_value = jnp.ones(feat_index.shape, jnp.float32)[:, :, None]
    # first-order term: embedding lookup into [V,1] table
    first_weights = jnp.take(first_w, feat_index, axis=0)  # [B, F, 1]
    first_weight_value = first_weights * feat_value
    y_first_order = jnp.sum(first_weight_value, axis=2)  # [B, F]
    # second-order FM term: embedding lookup into [V,D] table
    secd_feat_emb = jnp.take(emb, feat_index, axis=0)  # [B, F, D]
    feat_emd_value = secd_feat_emb * feat_value
    summed_feat_emb = jnp.sum(feat_emd_value, axis=1)  # [B, D]
    interaction_part1 = jnp.power(summed_feat_emb, 2)
    squared_feat_emd_value = jnp.power(feat_emd_value, 2)
    interaction_part2 = jnp.sum(squared_feat_emd_value, axis=1)
    y_secd_order = 0.5 * (interaction_part1 - interaction_part2)  # [B, D]
    # deep component (dropout treated as identity / eval mode)
    y_deep = feat_emd_value.reshape(-1, F * D)
    y_deep = jax.nn.relu(_bn(y_deep @ W1 + b1))
    y_deep = jax.nn.relu(_bn(y_deep @ W2 + b2))
    y_deep = jax.nn.relu(_bn(y_deep @ W3 + b3))
    concat_input = jnp.concatenate((y_first_order, y_secd_order, y_deep), axis=1)
    output = concat_input @ fcW + fcb
    return jnp.squeeze(output, axis=-1)

if __name__ == "__main__":
    import jax
    _d = setup_inputs()
    print(jax.jit(kernel)(*tuple(_d.values())))

</pallas_src>

<mosaic_0001>
#map = affine_map<(d0, d1) -> (0, 0)>
#map1 = affine_map<(d0, d1) -> (0)>
module attributes {stable_mosaic.version = 14 : i64} {
  func.func @sc_kernel(%arg0: i32, %arg1: i32, %arg2: memref<1000000x16xf32, #tpu.memory_space<hbm>>, %arg3: memref<1000000xf32, #tpu.memory_space<hbm>>, %arg4: memref<106496xi32, #tpu.memory_space<hbm>>, %arg5: memref<106496x16xf32, #tpu.memory_space<hbm>>, %arg6: memref<106496xf32, #tpu.memory_space<hbm>>, %arg7: memref<3328xi32, #tpu.memory_space<vmem>>, %arg8: memref<3328x16xf32, #tpu.memory_space<vmem>>, %arg9: memref<3328xf32, #tpu.memory_space<vmem>>, %arg10: memref<!tpu.dma_semaphore, #tpu.memory_space<semaphore_mem>>, %arg11: memref<!tpu.dma_semaphore, #tpu.memory_space<semaphore_mem>>) attributes {dimension_semantics = [#tpu.dimension_semantics<core_parallel>, #tpu.dimension_semantics<subcore_parallel>], iteration_bounds = array<i64: 2, 16>, scalar_prefetch = 0 : i64, scratch_operands = 5 : i64, tpu.core_type = #tpu.core_type<sc_vector_subcore>, window_params = [{transform_indices = #map}, {transform_indices = #map1}, {transform_indices = #map1}, {transform_indices = #map}, {transform_indices = #map1}]} {
    %mul3A = arith.constant 2 : i32
    %mul3A_0 = arith.muli %arg1, %mul3A : i32
    %add3A = arith.addi %mul3A_0, %arg0 : i32
    %mul3A_1 = arith.constant 3328 : i32
    %mul3A_2 = arith.muli %add3A, %mul3A_1 : i32
    "tpu.region"() ({
      %run_scoped3A = tpu.sem_alloc : memref<!tpu.dma_semaphore, #tpu.memory_space<semaphore_mem>>
      %dma_start3A_11 = tpu.memref_slice %arg4[%mul3A_2] : memref<106496xi32, #tpu.memory_space<hbm>> -> memref<3328xi32, #tpu.memory_space<hbm>>
      %dma_start3A_12 = tpu.memref_slice %arg4[%mul3A_2] : memref<106496xi32, #tpu.memory_space<hbm>> -> memref<3328xi32, #tpu.memory_space<hbm>>
      tpu.enqueue_dma source(%dma_start3A_12 : memref<3328xi32, #tpu.memory_space<hbm>>) target(%arg7 : memref<3328xi32, #tpu.memory_space<vmem>>) target_semaphore(%run_scoped3A : memref<!tpu.dma_semaphore, #tpu.memory_space<semaphore_mem>>)
      %dma_wait3A_13 = tpu.memref_slice %arg4[%mul3A_2] : memref<106496xi32, #tpu.memory_space<hbm>> -> memref<3328xi32, #tpu.memory_space<hbm>>
      %dma_wait3A_14 = tpu.memref_slice %arg4[%mul3A_2] : memref<106496xi32, #tpu.memory_space<hbm>> -> memref<3328xi32, #tpu.memory_space<hbm>>
      tpu.wait_dma2 semaphore(%run_scoped3A : memref<!tpu.dma_semaphore, #tpu.memory_space<semaphore_mem>>) src(%dma_wait3A_14 : memref<3328xi32, #tpu.memory_space<hbm>>) dst(%arg7 : memref<3328xi32, #tpu.memory_space<vmem>>)
      tpu.yield
    }) : () -> ()
    %dma_start3A = arith.constant 0 : i32
    %dma_start3A_3 = arith.constant 0 : i32
    %dma_start3A_4 = tpu.memref_slice %arg2[%dma_start3A, %dma_start3A_3] : memref<1000000x16xf32, #tpu.memory_space<hbm>> -> memref<1000000x16xf32, #tpu.memory_space<hbm>>
    tpu.enqueue_indirect_dma source(%dma_start3A_4 : memref<1000000x16xf32, #tpu.memory_space<hbm>>) target(%arg8 : memref<3328x16xf32, #tpu.memory_space<vmem>>) offsets(%arg7 : memref<3328xi32, #tpu.memory_space<vmem>>) semaphore(%arg10 : memref<!tpu.dma_semaphore, #tpu.memory_space<semaphore_mem>>)
    %dma_start3A_5 = arith.constant 0 : i32
    %dma_start3A_6 = tpu.memref_slice %arg3[%dma_start3A_5] : memref<1000000xf32, #tpu.memory_space<hbm>> -> memref<1000000xf32, #tpu.memory_space<hbm>>
    tpu.enqueue_indirect_dma source(%dma_start3A_6 : memref<1000000xf32, #tpu.memory_space<hbm>>) target(%arg9 : memref<3328xf32, #tpu.memory_space<vmem>>) offsets(%arg7 : memref<3328xi32, #tpu.memory_space<vmem>>) semaphore(%arg11 : memref<!tpu.dma_semaphore, #tpu.memory_space<semaphore_mem>>)
    %dma_wait3A = arith.constant 0 : i32
    %dma_wait3A_7 = arith.constant 0 : i32
    %dma_wait3A_8 = tpu.memref_slice %arg2[%dma_wait3A, %dma_wait3A_7] : memref<1000000x16xf32, #tpu.memory_space<hbm>> -> memref<1000000x16xf32, #tpu.memory_space<hbm>>
    tpu.wait_indirect_dma semaphore(%arg10 : memref<!tpu.dma_semaphore, #tpu.memory_space<semaphore_mem>>) src(%dma_wait3A_8 : memref<1000000x16xf32, #tpu.memory_space<hbm>>) dst(%arg8 : memref<3328x16xf32, #tpu.memory_space<vmem>>)
    %dma_wait3A_9 = arith.constant 0 : i32
    %dma_wait3A_10 = tpu.memref_slice %arg3[%dma_wait3A_9] : memref<1000000xf32, #tpu.memory_space<hbm>> -> memref<1000000xf32, #tpu.memory_space<hbm>>
    tpu.wait_indirect_dma semaphore(%arg11 : memref<!tpu.dma_semaphore, #tpu.memory_space<semaphore_mem>>) src(%dma_wait3A_10 : memref<1000000xf32, #tpu.memory_space<hbm>>) dst(%arg9 : memref<3328xf32, #tpu.memory_space<vmem>>)
    "tpu.region"() ({
      %run_scoped3A = tpu.sem_alloc : memref<!tpu.dma_semaphore, #tpu.memory_space<semaphore_mem>>
      %dma_start3A_11 = arith.constant 0 : i32
      %dma_start3A_12 = tpu.memref_slice %arg5[%mul3A_2, %dma_start3A_11] : memref<106496x16xf32, #tpu.memory_space<hbm>> -> memref<3328x16xf32, #tpu.memory_space<hbm>>
      %dma_start3A_13 = arith.constant 0 : i32
      %dma_start3A_14 = tpu.memref_slice %arg5[%mul3A_2, %dma_start3A_13] : memref<106496x16xf32, #tpu.memory_space<hbm>> -> memref<3328x16xf32, #tpu.memory_space<hbm>>
      tpu.enqueue_dma source(%arg8 : memref<3328x16xf32, #tpu.memory_space<vmem>>) target(%dma_start3A_14 : memref<3328x16xf32, #tpu.memory_space<hbm>>) target_semaphore(%run_scoped3A : memref<!tpu.dma_semaphore, #tpu.memory_space<semaphore_mem>>)
      %dma_wait3A_15 = arith.constant 0 : i32
      %dma_wait3A_16 = tpu.memref_slice %arg5[%mul3A_2, %dma_wait3A_15] : memref<106496x16xf32, #tpu.memory_space<hbm>> -> memref<3328x16xf32, #tpu.memory_space<hbm>>
      %dma_wait3A_17 = arith.constant 0 : i32
      %dma_wait3A_18 = tpu.memref_slice %arg5[%mul3A_2, %dma_wait3A_17] : memref<106496x16xf32, #tpu.memory_space<hbm>> -> memref<3328x16xf32, #tpu.memory_space<hbm>>
      tpu.wait_dma2 semaphore(%run_scoped3A : memref<!tpu.dma_semaphore, #tpu.memory_space<semaphore_mem>>) src(%arg8 : memref<3328x16xf32, #tpu.memory_space<vmem>>) dst(%dma_wait3A_18 : memref<3328x16xf32, #tpu.memory_space<hbm>>)
      tpu.yield
    }) : () -> ()
    "tpu.region"() ({
      %run_scoped3A = tpu.sem_alloc : memref<!tpu.dma_semaphore, #tpu.memory_space<semaphore_mem>>
      %dma_start3A_11 = tpu.memref_slice %arg6[%mul3A_2] : memref<106496xf32, #tpu.memory_space<hbm>> -> memref<3328xf32, #tpu.memory_space<hbm>>
      %dma_start3A_12 = tpu.memref_slice %arg6[%mul3A_2] : memref<106496xf32, #tpu.memory_space<hbm>> -> memref<3328xf32, #tpu.memory_space<hbm>>
      tpu.enqueue_dma source(%arg9 : memref<3328xf32, #tpu.memory_space<vmem>>) target(%dma_start3A_12 : memref<3328xf32, #tpu.memory_space<hbm>>) target_semaphore(%run_scoped3A : memref<!tpu.dma_semaphore, #tpu.memory_space<semaphore_mem>>)
      %dma_wait3A_13 = tpu.memref_slice %arg6[%mul3A_2] : memref<106496xf32, #tpu.memory_space<hbm>> -> memref<3328xf32, #tpu.memory_space<hbm>>
      %dma_wait3A_14 = tpu.memref_slice %arg6[%mul3A_2] : memref<106496xf32, #tpu.memory_space<hbm>> -> memref<3328xf32, #tpu.memory_space<hbm>>
      tpu.wait_dma2 semaphore(%run_scoped3A : memref<!tpu.dma_semaphore, #tpu.memory_space<semaphore_mem>>) src(%arg9 : memref<3328xf32, #tpu.memory_space<vmem>>) dst(%dma_wait3A_14 : memref<3328xf32, #tpu.memory_space<hbm>>)
      tpu.yield
    }) : () -> ()
    return
  }
}

module attributes {stable_mosaic.version = 14 : i64} {
  func.func @_dense_body(%arg0: memref<4096x416xf32, #tpu.memory_space<vmem>>, %arg1: memref<4096x26xf32, #tpu.memory_space<vmem>>, %arg2: memref<416x16xf32, #tpu.memory_space<vmem>>, %arg3: memref<416x64xf32, #tpu.memory_space<vmem>>, %arg4: memref<1x64xf32, #tpu.memory_space<vmem>>, %arg5: memref<64x64xf32, #tpu.memory_space<vmem>>, %arg6: memref<1x64xf32, #tpu.memory_space<vmem>>, %arg7: memref<64x64xf32, #tpu.memory_space<vmem>>, %arg8: memref<1x64xf32, #tpu.memory_space<vmem>>, %arg9: memref<1x26xf32, #tpu.memory_space<vmem>>, %arg10: memref<1x16xf32, #tpu.memory_space<vmem>>, %arg11: memref<1x64xf32, #tpu.memory_space<vmem>>, %arg12: memref<1x1xf32, #tpu.memory_space<vmem>>, %arg13: memref<4096x1xf32, #tpu.memory_space<vmem>>) attributes {dimension_semantics = [], scalar_prefetch = 0 : i64, scratch_operands = 0 : i64, tpu.core_type = #tpu.core_type<tc>} {
    %get3A = arith.constant 0 : index
    %get3A_0 = arith.constant 0 : index
    %get3A_1 = vector.load %arg0[%get3A, %get3A_0] : memref<4096x416xf32, #tpu.memory_space<vmem>>, vector<4096x416xf32>
    %get3A_2 = arith.constant 0 : index
    %get3A_3 = arith.constant 0 : index
    %get3A_4 = vector.load %arg2[%get3A_2, %get3A_3] : memref<416x16xf32, #tpu.memory_space<vmem>>, vector<416x16xf32>
    %dot_general3A = arith.constant dense<0.000000e+00> : vector<4096x16xf32>
    %dot_general3A_5 = tpu.matmul %get3A_1, %get3A_4, %dot_general3A {dimension_numbers = #tpu.dot_dimension_numbers<[1], [0], [0], [1], [0, 0, 1, 1], [], []>, transpose_lhs_hint = false} : vector<4096x416xf32>, vector<416x16xf32>, vector<4096x16xf32> -> vector<4096x16xf32>
    %mul3A = arith.mulf %get3A_1, %get3A_1 : vector<4096x416xf32>
    %dot_general3A_6 = arith.constant dense<0.000000e+00> : vector<4096x16xf32>
    %dot_general3A_7 = tpu.matmul %mul3A, %get3A_4, %dot_general3A_6 {dimension_numbers = #tpu.dot_dimension_numbers<[1], [0], [0], [1], [0, 0, 1, 1], [], []>, transpose_lhs_hint = false} : vector<4096x416xf32>, vector<416x16xf32>, vector<4096x16xf32> -> vector<4096x16xf32>
    %mul3A_8 = arith.mulf %dot_general3A_5, %dot_general3A_5 : vector<4096x16xf32>
    %sub3A = arith.subf %mul3A_8, %dot_general3A_7 : vector<4096x16xf32>
    %mul3A_9 = arith.constant 5.000000e-01 : f32
    %mul3A_10 = vector.broadcast %mul3A_9 : f32 to vector<4096x16xf32>
    %mul3A_11 = arith.mulf %mul3A_10, %sub3A : vector<4096x16xf32>
    %get3A_12 = arith.constant 0 : index
    %get3A_13 = arith.constant 0 : index
    %get3A_14 = vector.load %arg3[%get3A_12, %get3A_13] : memref<416x64xf32, #tpu.memory_space<vmem>>, vector<416x64xf32>
    %dot_general3A_15 = arith.constant dense<0.000000e+00> : vector<4096x64xf32>
    %dot_general3A_16 = tpu.matmul %get3A_1, %get3A_14, %dot_general3A_15 {dimension_numbers = #tpu.dot_dimension_numbers<[1], [0], [0], [1], [0, 0, 1, 1], [], []>, transpose_lhs_hint = false} : vector<4096x416xf32>, vector<416x64xf32>, vector<4096x64xf32> -> vector<4096x64xf32>
    %get3A_17 = arith.constant 0 : index
    %get3A_18 = arith.constant 0 : index
    %get3A_19 = vector.load %arg4[%get3A_17, %get3A_18] : memref<1x64xf32, #tpu.memory_space<vmem>>, vector<1x64xf32>
    %add3A = vector.broadcast %get3A_19 : vector<1x64xf32> to vector<4096x64xf32>
    %add3A_20 = arith.addf %dot_general3A_16, %add3A : vector<4096x64xf32>
    %reduce_sum3A = arith.constant dense<0.000000e+00> : vector<64xf32>
    %reduce_sum3A_21 = vector.multi_reduction <add>, %add3A_20, %reduce_sum3A [0] : vector<4096x64xf32> to vector<64xf32>
    %broadcast_in_dim3A = vector.shape_cast %reduce_sum3A_21 : vector<64xf32> to vector<1x64xf32>
    %div3A = arith.constant 4.096000e+03 : f32
    %div3A_22 = vector.broadcast %div3A : f32 to vector<1x64xf32>
    %div3A_23 = arith.divf %broadcast_in_dim3A, %div3A_22 : vector<1x64xf32>
    %sub3A_24 = vector.broadcast %div3A_23 : vector<1x64xf32> to vector<4096x64xf32>
    %sub3A_25 = arith.subf %add3A_20, %sub3A_24 : vector<4096x64xf32>
    %mul3A_26 = arith.mulf %sub3A_25, %sub3A_25 : vector<4096x64xf32>
    %reduce_sum3A_27 = arith.constant dense<0.000000e+00> : vector<64xf32>
    %reduce_sum3A_28 = vector.multi_reduction <add>, %mul3A_26, %reduce_sum3A_27 [0] : vector<4096x64xf32> to vector<64xf32>
    %broadcast_in_dim3A_29 = vector.shape_cast %reduce_sum3A_28 : vector<64xf32> to vector<1x64xf32>
    %div3A_30 = arith.constant 4.096000e+03 : f32
    %div3A_31 = vector.broadcast %div3A_30 : f32 to vector<1x64xf32>
    %div3A_32 = arith.divf %broadcast_in_dim3A_29, %div3A_31 : vector<1x64xf32>
    %add3A_33 = arith.constant 9.99999974E-6 : f32
    %add3A_34 = vector.broadcast %add3A_33 : f32 to vector<1x64xf32>
    %add3A_35 = arith.addf %div3A_32, %add3A_34 : vector<1x64xf32>
    %sqrt3A = math.sqrt %add3A_35 : vector<1x64xf32>
    %div3A_36 = vector.broadcast %sqrt3A : vector<1x64xf32> to vector<4096x64xf32>
    %div3A_37 = arith.divf %sub3A_25, %div3A_36 : vector<4096x64xf32>
    %max3A = arith.constant 0.000000e+00 : f32
    %max3A_38 = vector.broadcast %max3A : f32 to vector<4096x64xf32>
    %max3A_39 = arith.maximumf %div3A_37, %max3A_38 : vector<4096x64xf32>
    %get3A_40 = arith.constant 0 : index
    %get3A_41 = arith.constant 0 : index
    %get3A_42 = vector.load %arg5[%get3A_40, %get3A_41] : memref<64x64xf32, #tpu.memory_space<vmem>>, vector<64x64xf32>
    %dot_general3A_43 = arith.constant dense<0.000000e+00> : vector<4096x64xf32>
    %dot_general3A_44 = tpu.matmul %max3A_39, %get3A_42, %dot_general3A_43 {dimension_numbers = #tpu.dot_dimension_numbers<[1], [0], [0], [1], [0, 0, 1, 1], [], []>, transpose_lhs_hint = false} : vector<4096x64xf32>, vector<64x64xf32>, vector<4096x64xf32> -> vector<4096x64xf32>
    %get3A_45 = arith.constant 0 : index
    %get3A_46 = arith.constant 0 : index
    %get3A_47 = vector.load %arg6[%get3A_45, %get3A_46] : memref<1x64xf32, #tpu.memory_space<vmem>>, vector<1x64xf32>
    %add3A_48 = vector.broadcast %get3A_47 : vector<1x64xf32> to vector<4096x64xf32>
    %add3A_49 = arith.addf %dot_general3A_44, %add3A_48 : vector<4096x64xf32>
    %reduce_sum3A_50 = arith.constant dense<0.000000e+00> : vector<64xf32>
    %reduce_sum3A_51 = vector.multi_reduction <add>, %add3A_49, %reduce_sum3A_50 [0] : vector<4096x64xf32> to vector<64xf32>
    %broadcast_in_dim3A_52 = vector.shape_cast %reduce_sum3A_51 : vector<64xf32> to vector<1x64xf32>
    %div3A_53 = arith.constant 4.096000e+03 : f32
    %div3A_54 = vector.broadcast %div3A_53 : f32 to vector<1x64xf32>
    %div3A_55 = arith.divf %broadcast_in_dim3A_52, %div3A_54 : vector<1x64xf32>
    %sub3A_56 = vector.broadcast %div3A_55 : vector<1x64xf32> to vector<4096x64xf32>
    %sub3A_57 = arith.subf %add3A_49, %sub3A_56 : vector<4096x64xf32>
    %mul3A_58 = arith.mulf %sub3A_57, %sub3A_57 : vector<4096x64xf32>
    %reduce_sum3A_59 = arith.constant dense<0.000000e+00> : vector<64xf32>
    %reduce_sum3A_60 = vector.multi_reduction <add>, %mul3A_58, %reduce_sum3A_59 [0] : vector<4096x64xf32> to vector<64xf32>
    %broadcast_in_dim3A_61 = vector.shape_cast %reduce_sum3A_60 : vector<64xf32> to vector<1x64xf32>
    %div3A_62 = arith.constant 4.096000e+03 : f32
    %div3A_63 = vector.broadcast %div3A_62 : f32 to vector<1x64xf32>
    %div3A_64 = arith.divf %broadcast_in_dim3A_61, %div3A_63 : vector<1x64xf32>
    %add3A_65 = arith.constant 9.99999974E-6 : f32
    %add3A_66 = vector.broadcast %add3A_65 : f32 to vector<1x64xf32>
    %add3A_67 = arith.addf %div3A_64, %add3A_66 : vector<1x64xf32>
    %sqrt3A_68 = math.sqrt %add3A_67 : vector<1x64xf32>
    %div3A_69 = vector.broadcast %sqrt3A_68 : vector<1x64xf32> to vector<4096x64xf32>
    %div3A_70 = arith.divf %sub3A_57, %div3A_69 : vector<4096x64xf32>
    %max3A_71 = arith.constant 0.000000e+00 : f32
    %max3A_72 = vector.broadcast %max3A_71 : f32 to vector<4096x64xf32>
    %max3A_73 = arith.maximumf %div3A_70, %max3A_72 : vector<4096x64xf32>
    %get3A_74 = arith.constant 0 : index
    %get3A_75 = arith.constant 0 : index
    %get3A_76 = vector.load %arg7[%get3A_74, %get3A_75] : memref<64x64xf32, #tpu.memory_space<vmem>>, vector<64x64xf32>
    %dot_general3A_77 = arith.constant dense<0.000000e+00> : vector<4096x64xf32>
    %dot_general3A_78 = tpu.matmul %max3A_73, %get3A_76, %dot_general3A_77 {dimension_numbers = #tpu.dot_dimension_numbers<[1], [0], [0], [1], [0, 0, 1, 1], [], []>, transpose_lhs_hint = false} : vector<4096x64xf32>, vector<64x64xf32>, vector<4096x64xf32> -> vector<4096x64xf32>
    %get3A_79 = arith.constant 0 : index
    %get3A_80 = arith.constant 0 : index
    %get3A_81 = vector.load %arg8[%get3A_79, %get3A_80] : memref<1x64xf32, #tpu.memory_space<vmem>>, vector<1x64xf32>
    %add3A_82 = vector.broadcast %get3A_81 : vector<1x64xf32> to vector<4096x64xf32>
    %add3A_83 = arith.addf %dot_general3A_78, %add3A_82 : vector<4096x64xf32>
    %reduce_sum3A_84 = arith.constant dense<0.000000e+00> : vector<64xf32>
    %reduce_sum3A_85 = vector.multi_reduction <add>, %add3A_83, %reduce_sum3A_84 [0] : vector<4096x64xf32> to vector<64xf32>
    %broadcast_in_dim3A_86 = vector.shape_cast %reduce_sum3A_85 : vector<64xf32> to vector<1x64xf32>
    %div3A_87 = arith.constant 4.096000e+03 : f32
    %div3A_88 = vector.broadcast %div3A_87 : f32 to vector<1x64xf32>
    %div3A_89 = arith.divf %broadcast_in_dim3A_86, %div3A_88 : vector<1x64xf32>
    %sub3A_90 = vector.broadcast %div3A_89 : vector<1x64xf32> to vector<4096x64xf32>
    %sub3A_91 = arith.subf %add3A_83, %sub3A_90 : vector<4096x64xf32>
    %mul3A_92 = arith.mulf %sub3A_91, %sub3A_91 : vector<4096x64xf32>
    %reduce_sum3A_93 = arith.constant dense<0.000000e+00> : vector<64xf32>
    %reduce_sum3A_94 = vector.multi_reduction <add>, %mul3A_92, %reduce_sum3A_93 [0] : vector<4096x64xf32> to vector<64xf32>
    %broadcast_in_dim3A_95 = vector.shape_cast %reduce_sum3A_94 : vector<64xf32> to vector<1x64xf32>
    %div3A_96 = arith.constant 4.096000e+03 : f32
    %div3A_97 = vector.broadcast %div3A_96 : f32 to vector<1x64xf32>
    %div3A_98 = arith.divf %broadcast_in_dim3A_95, %div3A_97 : vector<1x64xf32>
    %add3A_99 = arith.constant 9.99999974E-6 : f32
    %add3A_100 = vector.broadcast %add3A_99 : f32 to vector<1x64xf32>
    %add3A_101 = arith.addf %div3A_98, %add3A_100 : vector<1x64xf32>
    %sqrt3A_102 = math.sqrt %add3A_101 : vector<1x64xf32>
    %div3A_103 = vector.broadcast %sqrt3A_102 : vector<1x64xf32> to vector<4096x64xf32>
    %div3A_104 = arith.divf %sub3A_91, %div3A_103 : vector<4096x64xf32>
    %max3A_105 = arith.constant 0.000000e+00 : f32
    %max3A_106 = vector.broadcast %max3A_105 : f32 to vector<4096x64xf32>
    %max3A_107 = arith.maximumf %div3A_104, %max3A_106 : vector<4096x64xf32>
    %get3A_108 = arith.constant 0 : index
    %get3A_109 = arith.constant 0 : index
    %get3A_110 = vector.load %arg1[%get3A_108, %get3A_109] : memref<4096x26xf32, #tpu.memory_space<vmem>>, vector<4096x26xf32>
    %get3A_111 = arith.constant 0 : index
    %get3A_112 = arith.constant 0 : index
    %get3A_113 = vector.load %arg9[%get3A_111, %get3A_112] : memref<1x26xf32, #tpu.memory_space<vmem>>, vector<1x26xf32>
    %mul3A_114 = vector.broadcast %get3A_113 : vector<1x26xf32> to vector<4096x26xf32>
    %mul3A_115 = arith.mulf %get3A_110, %mul3A_114 : vector<4096x26xf32>
    %reduce_sum3A_116 = arith.constant dense<0.000000e+00> : vector<4096xf32>
    %reduce_sum3A_117 = vector.multi_reduction <add>, %mul3A_115, %reduce_sum3A_116 [1] : vector<4096x26xf32> to vector<4096xf32>
    %broadcast_in_dim3A_118 = vector.shape_cast %reduce_sum3A_117 : vector<4096xf32> to vector<4096x1xf32>
    %get3A_119 = arith.constant 0 : index
    %get3A_120 = arith.constant 0 : index
    %get3A_121 = vector.load %arg10[%get3A_119, %get3A_120] : memref<1x16xf32, #tpu.memory_space<vmem>>, vector<1x16xf32>
    %mul3A_122 = vector.broadcast %get3A_121 : vector<1x16xf32> to vector<4096x16xf32>
    %mul3A_123 = arith.mulf %mul3A_11, %mul3A_122 : vector<4096x16xf32>
    %reduce_sum3A_124 = arith.constant dense<0.000000e+00> : vector<4096xf32>
    %reduce_sum3A_125 = vector.multi_reduction <add>, %mul3A_123, %reduce_sum3A_124 [1] : vector<4096x16xf32> to vector<4096xf32>
    %broadcast_in_dim3A_126 = vector.shape_cast %reduce_sum3A_125 : vector<4096xf32> to vector<4096x1xf32>
    %add3A_127 = arith.addf %broadcast_in_dim3A_118, %broadcast_in_dim3A_126 : vector<4096x1xf32>
    %get3A_128 = arith.constant 0 : index
    %get3A_129 = arith.constant 0 : index
    %get3A_130 = vector.load %arg11[%get3A_128, %get3A_129] : memref<1x64xf32, #tpu.memory_space<vmem>>, vector<1x64xf32>
    %mul3A_131 = vector.broadcast %get3A_130 : vector<1x64xf32> to vector<4096x64xf32>
    %mul3A_132 = arith.mulf %max3A_107, %mul3A_131 : vector<4096x64xf32>
    %reduce_sum3A_133 = arith.constant dense<0.000000e+00> : vector<4096xf32>
    %reduce_sum3A_134 = vector.multi_reduction <add>, %mul3A_132, %reduce_sum3A_133 [1] : vector<4096x64xf32> to vector<4096xf32>
    %broadcast_in_dim3A_135 = vector.shape_cast %reduce_sum3A_134 : vector<4096xf32> to vector<4096x1xf32>
    %add3A_136 = arith.addf %add3A_127, %broadcast_in_dim3A_135 : vector<4096x1xf32>
    %get3A_137 = arith.constant 0 : index
    %get3A_138 = arith.constant 0 : index
    %get3A_139 = vector.load %arg12[%get3A_137, %get3A_138] : memref<1x1xf32, #tpu.memory_space<vmem>>, vector<1x1xf32>
    %add3A_140 = vector.broadcast %get3A_139 : vector<1x1xf32> to vector<4096x1xf32>
    %add3A_141 = arith.addf %add3A_136, %add3A_140 : vector<4096x1xf32>
    %swap3A = arith.constant 0 : index
    %swap3A_142 = arith.constant 0 : index
    %swap3A_143 = vector.load %arg13[%swap3A, %swap3A_142] : memref<4096x1xf32, #tpu.memory_space<vmem>>, vector<4096x1xf32>
    tpu.vector_store %arg13[%swap3A, %swap3A_142], %add3A_141 {strides = array<i32>} : memref<4096x1xf32, #tpu.memory_space<vmem>>, vector<4096x1xf32>,
    return
  }
}

</mosaic_0001>

<sc_bundles>
// kernel: kernel.4.cloned.1.call-start
scs
__scs_entry_jumppad:
0x0: {  	(pc) =	sbr.rel $0x88, $3  }
0x1: {  	(tag) =	ssettag $0x0;
	lr =	simm.s32 $0x1  }
0x2: {  	[smem:$0x3F96] =	sst lr;
	_ =	strace $0xD0000000  }
0x3: {  	_ = 	snop  }
0x4: {  	_ = 	snop  }
0x5: {  	_ = 	snop  }
0x6: {  	_ = 	snop  }
0x7: {  	_ = 	snop  }
__scs_overlays_trampoline_lowered:
0x8: {  	[smem:$0x3FA5] =	sst s0  }
0x9: {  	[smem:$0x3FA6] =	sst s1  }
0xa: {  	[smem:$0x3FA7] =	sst s2  }
0xb: {  	[smem:$0x3FA8] =	sst s3  }
0xc: {  	[smem:$0x3FA9] =	sst s4  }
0xd: {  	[smem:$0x3FAA] =	sst s5  }
0xe: {  	[smem:$0x3FAB] =	sst s6  }
0xf: {  	[smem:$0x3FAC] =	sst s7  }
0x10: {  	[smem:$0x3FAD] =	sst s8  }
0x11: {  	[smem:$0x3FAE] =	sst s9;
	s0 =	simm.s32 @!p0 $0x0  }
0x12: {  	s1 =	sld [smem:$0x3F94];
	s0 =	simm.s32 @p0 $0x1  }
0x13: {  	[smem:$0x3FAF] =	sst s0;
	s0 =	simm.s32 @!p1 $0x0  }
0x14: {  	s2 =	sld [smem:$0x3F93];
	s0 =	simm.s32 @p1 $0x1  }
0x15: {  	[smem:$0x3FB0] =	sst s0;
	s0 =	simm.s32 @!p2 $0x0  }
0x16: {  	s3 =	sld [smem:$0x3FDB];
	s0 =	simm.s32 @p2 $0x1  }
0x17: {  	s4 =	simm.s32 $0x1BF5;
	[smem:$0x3FB2] =	sst s0  }
0x18: {  	s0 =	sld [smem:$0x3F95];
	_ =	swait.ge [sflag:s4], $0x0  }
0x19: {  	s7 =	sld [smem:$0x3F96]  }
0x1a: {  	s8 =	sadd.s32 $0xFFFFE003, lr  }
0x1b: {  	s9 =	sadd.s32 $0xFFFFFEF7, lr;
	s5 =	simm.s32 $0xFFFFFFFF;
	p2 =	slt.u32 s8, $0xFFFFF086  }
0x1c: {  	p1 =	slt.u32 s9, $0xF7A;
	s5 =	simm.s32 @!p2 $0x0  }
0x1d: {  	s5 =	simm.s32 @p1 $0x1;
	p0 =	seq.s32 s7, s2  }
0x1e: {  	s7 =	smul.u32 @!p0 $0xF7A, s2;
	p2 =	seq.s32 @!p0 s5, $0x0  }
0x1f: {  	s9 =	smul.u32 $0xF7A, s1;
	s8 =	simm.s32 @!p0 $0x1BF5;
	p2 =	por !p2, p0  }
0x20: {  	[sflag:s8] =	ssyncset.s32 @!p0 $0xFFFFF086;
	s6 =	sadd.s32 @!p0 s3, s7;
	s7 =	simm.s32 @!p0 $0x108  }
0x21: {  	s3 =	sadd.s32 s3, s9;
	s6 =	sadd.s32 @!p0 $0x88, s6;
	s7 =	simm.s32 @p2 $0x1082  }
0x22: {  	[simem:s7], [sflag:s8] =	dma.local @!p0 [hbm:s6], $0xF7A  }
0x23: {  	s9 =	sor.u32 $0xD0000000, s2;
	s6 =	simm.s32 $0x108;
	_ =	swait.ge @!p0 [sflag:s8], $0x0  }
0x24: {  	s3 =	sadd.s32 $0x88, s3;
	s6 =	simm.s32 @!p1 $0x1082;
	[sflag:s4] =	ssyncset.s32 $0xFFFFF086  }
0x25: {  	[simem:s6], [sflag:s4] =	dma.local [hbm:s3], $0xF7A  }
0x26: {  	[smem:$0x3F96] =	sst s1;
	(tag) =	ssettag s2;
	_ =	strace s9  }
0x27: {  	s1 =	sld [smem:$0x3FA6]  }
0x28: {  	s2 =	sld [smem:$0x3FA7]  }
0x29: {  	s4 =	sld [smem:$0x3FA9]  }
0x2a: {  	p0 =	seq.s32 s5, $0x0;
	s5 =	sld [smem:$0x3FAA]  }
0x2b: {  	s6 =	sld [smem:$0x3FAB]  }
0x2c: {  	s7 =	sld [smem:$0x3FAC]  }
0x2d: {  	s3 =	simm.s32 $0x108;
	s8 =	sld [smem:$0x3FAD]  }
0x2e: {  	s3 =	simm.s32 @!p0 $0x1082;
	s9 =	sld [smem:$0x3FAE]  }
0x2f: {  	lr =	sadd.s32 s0, s3;
	s0 =	sld [smem:$0x3FA5]  }
0x30: {  	s3 =	sld [smem:$0x3FA8]  }
0x31: {  	[smem:$0x3FB1] =	sst s10  }
0x32: {  	s10 =	sld [smem:$0x3FAF];
	_ =	sdelay $0x3  }
0x33: {  	p0 =	seq.s32 s10, $0x1;
	s10 =	sld [smem:$0x3FB1];
	_ =	sdelay $0x3  }
0x34: {  	[smem:$0x3FB1] =	sst s10  }
0x35: {  	s10 =	sld [smem:$0x3FB0];
	_ =	sdelay $0x3  }
0x36: {  	p1 =	seq.s32 s10, $0x1;
	s10 =	sld [smem:$0x3FB1];
	_ =	sdelay $0x3  }
0x37: {  	[smem:$0x3FB1] =	sst s10  }
0x38: {  	s10 =	sld [smem:$0x3FB2]  }
0x39: {  	_ = 	snop;
	(pc) =	sbr.ind lr, $3  }
0x3a: {  	_ = 	snop  }
0x3b: {  	_ = 	snop  }
0x3c: {  	p2 =	seq.s32 s10, $0x1;
	s10 =	sld [smem:$0x3FB1]  }
0x3d: {  	_ =	shalt  }
0x3e: {  	_ =	shalt  }
0x3f: {  	_ =	shalt  }
0x40: {  	_ =	shalt  }
0x41: {  	_ =	shalt  }
0x42: {  	_ =	shalt  }
0x43: {  	_ =	shalt  }
0x44: {  	_ =	shalt  }
0x45: {  	_ =	shalt  }
0x46: {  	_ =	shalt  }
0x47: {  	_ =	shalt  }
0x48: {  	_ =	shalt  }
0x49: {  	_ =	shalt  }
0x4a: {  	_ =	shalt  }
0x4b: {  	_ =	shalt  }
0x4c: {  	_ =	shalt  }
0x4d: {  	_ =	shalt  }
0x4e: {  	_ =	shalt  }
0x4f: {  	_ =	shalt  }
0x50: {  	_ =	shalt  }
0x51: {  	_ =	shalt  }
0x52: {  	_ =	shalt  }
0x53: {  	_ =	shalt  }
0x54: {  	_ =	shalt  }
0x55: {  	_ =	shalt  }
0x56: {  	_ =	shalt  }
0x57: {  	_ =	shalt  }
0x58: {  	_ =	shalt  }
0x59: {  	_ =	shalt  }
0x5a: {  	_ =	shalt  }
0x5b: {  	_ =	shalt  }
0x5c: {  	_ =	shalt  }
0x5d: {  	_ =	shalt  }
0x5e: {  	_ =	shalt  }
0x5f: {  	_ =	shalt  }
0x60: {  	_ =	shalt  }
0x61: {  	_ =	shalt  }
0x62: {  	_ =	shalt  }
0x63: {  	_ =	shalt  }
0x64: {  	_ =	shalt  }
0x65: {  	_ =	shalt  }
0x66: {  	_ =	shalt  }
0x67: {  	_ =	shalt  }
0x68: {  	_ =	shalt  }
0x69: {  	_ =	shalt  }
0x6a: {  	_ =	shalt  }
0x6b: {  	_ =	shalt  }
0x6c: {  	_ =	shalt  }
0x6d: {  	_ =	shalt  }
0x6e: {  	_ =	shalt  }
0x6f: {  	_ =	shalt  }
0x70: {  	_ =	shalt  }
0x71: {  	_ =	shalt  }
0x72: {  	_ =	shalt  }
0x73: {  	_ =	shalt  }
0x74: {  	_ =	shalt  }
0x75: {  	_ =	shalt  }
0x76: {  	_ =	shalt  }
0x77: {  	_ =	shalt  }
0x78: {  	_ =	shalt  }
0x79: {  	_ =	shalt  }
0x7a: {  	_ =	shalt  }
0x7b: {  	_ =	shalt  }
0x7c: {  	_ =	shalt  }
0x7d: {  	_ =	shalt  }
0x7e: {  	_ =	shalt  }
0x7f: {  	_ =	shalt  }
0x80: {  	_ =	shalt  }
0x81: {  	_ =	shalt  }
0x82: {  	_ =	shalt  }
0x83: {  	_ =	shalt  }
0x84: {  	_ =	shalt  }
0x85: {  	_ =	shalt  }
0x86: {  	_ =	shalt  }
0x87: {  	_ =	shalt  }
.Lfunc_end0:
.L_simem_size_0:
called_computation_lowered:
.L_overlay_start_0:
0x88: {  	s2 =	sld [smem:$0x3FD9]  }
0x89: {  	s3 =	sld [smem:$0x3FFE];
	_ =	sdelay $0x1  }
0x8a: {  	s1 =	srdreg.scid  }
0x8b: {  	s0 =	sand.u32 $0x1, s1  }
0x8c: {  	s16 =	sshll.u32 s0, $0xA;
	s2 =	sadd.s32 s3, s2  }
0x8d: {  	s2 =	sadd.s32 s2, s16  }
0x8e: {  	[smem:$0x3FBD] =	sst s2  }
0x8f: {  	_ = 	snop  }
0x90: {  	(tm) =	ssettm $0x1  }
0x91: {  	s17 =	sld [smem:$0x3FFB];
	_ =	sdelay $0x3  }
0x92: {  	_ =	strace s17  }
0x93: {  	s2 =	sld [smem:$0x3FFC];
	_ =	sdelay $0x3  }
0x94: {  	_ =	strace s2  }
0x95: {  	s2 =	sld [smem:$0x3FFD];
	_ =	sdelay $0x3  }
0x96: {  	_ =	strace s2  }
0x97: {  	_ =	strace $0x8FFFFFFF  }
0x98: {  	s18 =	sld [smem:$0x3FDB];
	_ =	sdelay $0x1  }
0x99: {  	s19 =	simm.s32 $_scs_section_size  }
0x9a: {  	s4 =	simm.s32 $_size__tile_overlayer_lowered;
	s5 =	simm.s32 $_tile_overlayer_lowered  }
0x9b: {  	s22 =	simm.s32 $0x1BFF;
	s21 =	sshll.u32 s5, $0x1;
	s2 =	sadd.s32 s19, s18  }
0x9c: {  	s6 =	simm.s32 $0x0;
	s20 =	sshll.u32 s4, $0x1;
	s4 =	sadd.s32 s21, s2  }
0x9d: {  	[timem:s6], [sflag:s22] =	dma.local [hbm:s4], s20  }
0x9e: {  	_ =	swait.ge [sflag:s22], s20  }
0x9f: {  	s3 =	ssub.s32 $0x0, s20;
	[sflag:s22] =	ssyncset.done $0x0  }
0xa0: {  	[sflag:s22] =	ssyncadd.s32 s3;
	_ =	sdelay $0x1  }
0xa1: {  	s23 =	simm.s32 $0x1B8B  }
0xa2: {  	_ =	swait.ge [sflag:s23], $0x1  }
0xa3: {  	[sflag:s23] =	ssyncset.done $0x0  }
0xa4: {  	s25 =	simm.s32 $0x1B8E;
	s24 =	sld [smem:$0x3FFE];
	[sflag:s23] =	ssyncadd.s32 $0xFFFFFFFF  }
0xa5: {  	s26 =	simm.s32 $execute0_lowered;
	[smem:$0x3FD2] =	sst s25  }
0xa6: {  	s4 =	sshll.u32 s26, $0x1;
	_ =	strace $0x80000046;
	[dreg:$0x1] =	wrdreg $0xFFFFFFFF  }
0xa7: {  	s28 =	simm.s32 $_size_execute0_lowered;
	s2 =	sadd.s32 s2, s4;
	[dreg:$0x0] =	wrdreg $0x0  }
0xa8: {  	s4 =	sshll.u32 s28, $0x1;
	[dreg:$0x2] =	wrdreg s2  }
0xa9: {  	[dreg:$0x3] =	wrdreg s4  }
0xaa: {  	[dreg:$0x4] =	wrdreg $0xC0  }
0xab: {  	_ =	task [dreg:s6], $0x5FFFF  }
0xac: {  	[dreg:$0x1] =	wrdreg $0xFFFFFFFF  }
0xad: {  	[dreg:$0x0] =	wrdreg $0x60  }
0xae: {  	[dreg:$0x2] =	wrdreg s24  }
0xaf: {  	[dreg:$0x3] =	wrdreg $0x9  }
0xb0: {  	_ =	task.clear_ibuf [dreg:s6], $0x4FFFF;
	_ =	strace $0x90000046  }
0xb1: {  	s29 =	simm.s32 $0x9;
	_ =	strace $0x80000048  }
0xb2: {  	_ =	swait.ge [sflag:s29], $0x1  }
0xb3: {  	[sflag:s29] =	ssyncadd.s32 $0xFFFFFFFF  }
0xb4: {  	_ =	strace $0x90000048  }
0xb5: {  	_ =	sfence  }
0xb6: {  	s30 =	sld [smem:$0x0];
	_ =	sdelay $0x2  }
0xb7: {  	s31 =	sshll.u32 s1, $0xD;
	s1 =	sshrl.u32 s1, $0x2  }
0xb8: {  	s3 =	sand.u32 $0x4000, s31;
	s1 =	sadd.s32 s1, s30  }
0xb9: {  	s0 =	sor.u32 s3, s0;
	s1 =	sshll.u32 s1, $0x11  }
0xba: {  	s0 =	sor.u32 s1, s0  }
0xbb: {  	s0 =	sadd.s32 $0x8F2B, s0  }
0xbc: {  	[sflag:s0] =	ssyncadd.remote.s32 $0x1  }
0xbd: {  	_ =	sfence.sel $0xFFFF  }
0xbe: {  	[dreg:$0x0] =	wrdreg $0xFFFFFFFF;
	(pc) =	sbr.abs _section_cstart, $3  }
0xbf: {  	[dreg:$0x1] =	wrdreg $0xFFFFFFFF  }
0xc0: {  	_ =	task.clear_ibuf [dreg:s6], $0x2FFFF;
	_ =	strace $0x9FFFFFFF  }
0xc1: {  	(tm) =	ssettm $0x7FFFFFFF  }
tec
execute0_lowered:
.L_overlay_start_1:
0x0: {  	(tag) =	ssettag $0x1  }
0x1: {  	s1 =	srdreg.scid;
	s0 =	stileid.u32  }
0x2: {  	s11 =	sand.u32 $0x1, s1;
	s28 =	sshll.u32 s0, $0x1  }
0x3: {  	s10 =	sor.u32 s11, s28  }
0x4: {  	s12 =	rddreg [dreg:$0x0];
	s3 =	smul.u32 $0x1A0, s10  }
0x5: {  	s2 =	simm.s32 $0x0;
	s1 =	rddreg [dreg:$0x1]  }
0x6: {  	[smem:$0x7FF] =	sst s2;
	s13 =	sadd.s32 s3, s12  }
0x7: {  	_ =	strace $0x80000047;
	s3 =	simm.s32 $0x3;
	s4 =	sadd.s32 $0x1200, s13  }
0x8: {  	[tilespmem:s2], [sflag:$0x3] =	stream.linear.gather [hbm4b:s4+s2], $0xD00, $0x38;
	[tilespmem:$0xEA00] =	vst v63  }
0x9: {  	_ =	swait.ge [sflag:s3], $0xD00  }
0xa: {  	[sflag:s3] =	ssyncset.done $0x0  }
0xb: {  	s6 =	simm.s32 $0xD00;
	s5 =	sadd.s32 $0xF43600, s12;
	[sflag:s3] =	ssyncadd.s32 $0xFFFFF300  }
0xc: {  	[tilespmem:s6], [sflag:$0x1] =	stream.indirect.gather [hbm4b:s5+s6], $0x10, s2, s6, $0xb8;
	[tilespmem:$0xEA00] =	vst v63  }
0xd: {  	s8 =	simm.s32 $0xDD00;
	s9 =	simm.s32 $0x1;
	s7 =	sadd.s32 $0x4600, s12  }
0xe: {  	[tilespmem:s8], [sflag:$0x2] =	stream.indirect.gather [hbm4b:s7+s6], $0x1, s2, s6, $0xb8;
	[tilespmem:$0xEA00] =	vst v63  }
0xf: {  	_ =	swait.ge [sflag:s9], $0xD000  }
0x10: {  	s29 =	ssub.s32 $0x2, s11;
	[sflag:s9] =	ssyncset.done $0x0  }
0x11: {  	s14 =	smul.u32 $0x1A00, s10;
	s10 =	simm.s32 $0x2;
	[sflag:s9] =	ssyncadd.s32 $0xFFFF3000  }
0x12: {  	s30 =	sshrl.u32 s29, $0x1;
	_ =	swait.ge [sflag:s10], $0xD00  }
0x13: {  	s12 =	sadd.s32 s14, s12;
	s14 =	ssub.s32 s29, s30;
	[sflag:s10] =	ssyncset.done $0x0  }
0x14: {  	s11 =	sadd.s32 $0x23000, s12;
	s31 =	smax.u32 s14, $0x1;
	[sflag:s10] =	ssyncadd.s32 $0xFFFFF300  }
0x15: {  	[hbm4b:s11+s2] =	stream.linear.scatter [tilespmem:s6], [sflag:$0x3], $0xD000, $0x38;
	[tilespmem:$0xEA00] =	vst v63  }
0x16: {  	p0 =	sne.s32 s31, $0x1;
	_ =	swait.ge [sflag:s3], $0xD000  }
.Ltmp0:
0x17: {  	[sflag:s3] =	ssyncset.done $0x0;
	(pc) =	sbr.rel @!p0 .LBB2_2-.Ltmp0, $4  }
0x18: {  	s12 =	sadd.s32 $0x57000, s13;
	[sflag:s3] =	ssyncadd.s32 $0xFFFF3000  }
0x19: {  	[hbm4b:s12+s2] =	stream.linear.scatter [tilespmem:s8], [sflag:$0x3], $0xD00, $0x38;
	[tilespmem:$0xEA00] =	vst v63  }
0x1a: {  	_ =	swait.ge [sflag:s3], $0xD00  }
0x1b: {  	s13 =	sadd.s32 $0xFFFFFFFF, s31;
	[sflag:s3] =	ssyncset.done $0x0  }
.LBB2_1:
0x1c: {  	p0 =	sne.s32 s13, $0x1;
	s13 =	sadd.s32 $0xFFFFFFFF, s13;
	[sflag:s3] =	ssyncadd.s32 $0xFFFFF300  }
0x1d: {  	[tilespmem:s2], [sflag:$0x3] =	stream.linear.gather [hbm4b:s4+s2], $0xD00, $0x38;
	[tilespmem:$0xEA00] =	vst v63  }
0x1e: {  	_ =	swait.ge [sflag:s3], $0xD00  }
0x1f: {  	[sflag:s3] =	ssyncset.done $0x0  }
0x20: {  	[sflag:s3] =	ssyncadd.s32 $0xFFFFF300  }
0x21: {  	[tilespmem:s6], [sflag:$0x1] =	stream.indirect.gather [hbm4b:s5+s6], $0x10, s2, s6, $0xb8;
	[tilespmem:$0xEA00] =	vst v63  }
0x22: {  	_ = 	snop  }
0x23: {  	[tilespmem:s8], [sflag:$0x2] =	stream.indirect.gather [hbm4b:s7+s6], $0x1, s2, s6, $0xb8;
	[tilespmem:$0xEA00] =	vst v63  }
0x24: {  	_ =	swait.ge [sflag:s9], $0xD000  }
0x25: {  	[sflag:s9] =	ssyncset.done $0x0  }
0x26: {  	[sflag:s9] =	ssyncadd.s32 $0xFFFF3000  }
0x27: {  	_ =	swait.ge [sflag:s10], $0xD00  }
0x28: {  	[sflag:s10] =	ssyncset.done $0x0  }
0x29: {  	[sflag:s10] =	ssyncadd.s32 $0xFFFFF300  }
0x2a: {  	[hbm4b:s11+s2] =	stream.linear.scatter [tilespmem:s6], [sflag:$0x3], $0xD000, $0x38;
	[tilespmem:$0xEA00] =	vst v63  }
0x2b: {  	_ =	swait.ge [sflag:s3], $0xD000  }
.Ltmp1:
0x2c: {  	[sflag:s3] =	ssyncset.done $0x0;
	(pc) =	sbr.rel @p0 .LBB2_1-.Ltmp1, $4  }
0x2d: {  	[sflag:s3] =	ssyncadd.s32 $0xFFFF3000  }
0x2e: {  	[hbm4b:s12+s2] =	stream.linear.scatter [tilespmem:s8], [sflag:$0x3], $0xD00, $0x38;
	[tilespmem:$0xEA00] =	vst v63  }
0x2f: {  	_ =	swait.ge [sflag:s3], $0xD00  }
0x30: {  	[sflag:s3] =	ssyncset.done $0x0  }
.LBB2_2:
0x31: {  	[sflag:s3] =	ssyncadd.s32 $0xFFFFF300  }
0x32: {  	_ =	sfence.sel $0x180000  }
0x33: {  	[bflag:$0x0] =	sbarrier.arrive $0xFFFF  }
0x34: {  	p0 =	sne.s32 s0, $0x0;
	_ =	strace $0x90000047  }
0x35: {  	s0 =	sadd.s32 @!p0 $0x100000, s1;
	[bflag:$0x2] =	sbarrier.arrive $0xFFFF  }
0x36: {  	[sflag:s0] =	ssyncadd.tile.s32 @!p0 $0x1;
	_ =	shalt  }
.Lfunc_end2:
_tile_overlayer_lowered:
.L_overlay_start_2:
0x37: {  	(tag) =	ssettag $0x2  }
0x38: {  	s0 =	rddreg [dreg:$0x0];
	s2 =	stileid.u32  }
0x39: {  	s1 =	rddreg [dreg:$0x1];
	p0 =	sne.s32 s2, $0x0  }
0x3a: {  	s3 =	rddreg [dreg:$0x2];
	[bflag:$0x3] =	sbarrier.arrive $0xFFFF;
	s2 =	simm.s32 @!p0 $0x1C03  }
0x3b: {  	[timem:s3], [sflag:s2] =	dma.local @!p0 [hbm:s0], s1  }
0x3c: {  	s0 =	simm.s32 @!p0 $0x3  }
0x3d: {  	_ =	swait.ge @!p0 [sflag:s0], s1  }
0x3e: {  	s1 =	ssub.s32 @!p0 $0x0, s1;
	[sflag:s0] =	ssyncset.done @!p0 $0x0  }
0x3f: {  	[sflag:s0] =	ssyncadd.s32 @!p0 s1  }
0x40: {  	[bflag:$0x3] =	sbarrier.arrive $0xFFFF  }
0x41: {  	_ =	shalt  }

</sc_bundles>
